<compile_context>
chip_gen: v7x
topology: tpu7x:2x2x1
jax: 0.10.2.dev20260603
libtpu: 0.0.44.dev20260713+nightly
codegen_flags: <defaults>
</compile_context>

<pallas_src>
import jax
import jax.numpy as jnp
from jax.experimental import pallas as pl

_DIM = 32
_PACK = 4
_LANES = _PACK * _DIM
_CHUNK = 1000
_BLK = _PACK * _CHUNK

_INV_2PI = 0.15915494309189535
_C0 = 0.99999944368
_C1 = -19.739034373
_C2 = 64.93061337
_C3 = -85.295970962
_C4 = 58.912555324
_C5 = -21.283021593


def _cos2pi(t):
    u = t * t
    return _C0 + u * (_C1 + u * (_C2 + u * (_C3 + u * (_C4 + u * _C5))))


def _gru_body(mts_ref, memts_ref, mail_ref, mem_ref, rh_ref,
              bw_ref, wih_ref, whh_ref, brz_ref, bin_ref, bhn_ref, tb_ref,
              out_ref):
    d = _LANES
    dt4 = mts_ref[...] - memts_ref[...]
    x = jnp.dot(dt4, bw_ref[...],
                precision=jax.lax.Precision.HIGHEST,
                preferred_element_type=jnp.float32) + tb_ref[...]
    t = x * _INV_2PI
    t = t - jnp.round(t)
    tf = _cos2pi(t)
    t_in = jnp.concatenate([mail_ref[...], tf.astype(jnp.bfloat16)], axis=1)
    gx = jnp.dot(t_in, wih_ref[...],
                 preferred_element_type=jnp.float32)
    gh = jnp.dot(mem_ref[...], whh_ref[...],
                 preferred_element_type=jnp.float32)
    rz = jax.nn.sigmoid(gx[:, 0:2 * d] + gh[:, 0:2 * d] + brz_ref[...])
    r = rz[:, 0:d]
    z = rz[:, d:2 * d]
    n = jnp.tanh(gx[:, 2 * d:3 * d] + bin_ref[...]
                 + r * (gh[:, 2 * d:3 * d] + bhn_ref[...]))
    mem = mem_ref[...].astype(jnp.float32)
    out_ref[...] = (1.0 - z) * n + z * mem + rh_ref[...].astype(jnp.float32)


def kernel(mail, mail_ts, mem_ts, mem, rh, W_ih, W_hh, b_ih, b_hh, time_w, time_b):
    n = mail.shape[0]
    d = _DIM
    p = _PACK
    c = _CHUNK
    lanes = _LANES
    nb = n // _BLK
    nq = n // p

    packb = lambda a: a.astype(jnp.bfloat16).reshape(nq, lanes)
    mail_b = packb(mail)
    mem_b = packb(mem)
    rh_b = packb(rh)
    mtsc = mail_ts.reshape(nq, p)
    memtsc = mem_ts.reshape(nq, p)

    eye = jnp.eye(p, dtype=jnp.float32)
    bw = jnp.kron(eye, time_w.reshape(1, d))
    tb4 = jnp.tile(time_b, p).reshape(1, lanes)

    wih_t = W_ih.T.reshape(2, d, 3, d)
    wih4 = jnp.einsum('pitj,gh->pgithj', wih_t, eye)
    wih4 = wih4.reshape(2 * lanes, 3 * lanes).astype(jnp.bfloat16)
    whh_t = W_hh.T.reshape(d, 3, d)
    whh4 = jnp.einsum('itj,gh->githj', whh_t, eye)
    whh4 = whh4.reshape(lanes, 3 * lanes).astype(jnp.bfloat16)
    tile_b = lambda b: jnp.broadcast_to(b.reshape(1, d), (p, d)).reshape(1, lanes)
    brz = (jnp.broadcast_to((b_ih + b_hh).reshape(3, 1, d), (3, p, d))
           .reshape(1, 3 * lanes)[:, 0:2 * lanes])
    bin_ = tile_b(b_ih[2 * d:])
    bhn = tile_b(b_hh[2 * d:])

    full_spec = lambda a: pl.BlockSpec(a.shape, lambda i: (0,) * a.ndim)

    out = pl.pallas_call(
        _gru_body,
        grid=(nb,),
        in_specs=[
            pl.BlockSpec((c, p), lambda i: (i, 0)),
            pl.BlockSpec((c, p), lambda i: (i, 0)),
            pl.BlockSpec((c, lanes), lambda i: (i, 0)),
            pl.BlockSpec((c, lanes), lambda i: (i, 0)),
            pl.BlockSpec((c, lanes), lambda i: (i, 0)),
            full_spec(bw),
            full_spec(wih4),
            full_spec(whh4),
            full_spec(brz),
            full_spec(bin_),
            full_spec(bhn),
            full_spec(tb4),
        ],
        out_specs=pl.BlockSpec((c, lanes), lambda i: (i, 0)),
        out_shape=jax.ShapeDtypeStruct((nq, lanes), jnp.float32),
    )(mtsc, memtsc, mail_b, mem_b, rh_b, bw, wih4, whh4, brz, bin_, bhn, tb4)
    return out.reshape(n, d)

# --- scband reference (transcript-rebuilt; emitter-appended) ---
"""Pipeline reference for scband-smart-memory-updater-17171279250048 (READ-ONLY COPY).

The authoritative reference and input builder live on the scoring server;
editing this copy changes nothing except your own understanding.
"""

import jax, jax.numpy as jnp
import numpy as np

N = 500000
DIM_IN = 32
DIM_TIME = 32
DIM_HID = 32


def setup_inputs(seed: int = 0) -> dict:
    key = jax.random.key(seed)
    ks = jax.random.split(key, 10)
    mail = jax.random.normal(ks[0], (N, DIM_IN), dtype=jnp.float32)
    mail_ts = jax.random.uniform(ks[1], (N,), dtype=jnp.float32) * 1000.0
    mem_ts = jax.random.uniform(ks[2], (N,), dtype=jnp.float32) * 500.0
    mem = jax.random.normal(ks[3], (N, DIM_HID), dtype=jnp.float32)
    rh = jax.random.normal(ks[4], (N, DIM_HID), dtype=jnp.float32)
    d_gru_in = DIM_IN + DIM_TIME
    s = 1.0 / np.sqrt(DIM_HID)
    W_ih = jax.random.uniform(ks[5], (3 * DIM_HID, d_gru_in), minval=-s, maxval=s, dtype=jnp.float32)
    W_hh = jax.random.uniform(ks[6], (3 * DIM_HID, DIM_HID), minval=-s, maxval=s, dtype=jnp.float32)
    b_ih = jax.random.uniform(ks[7], (3 * DIM_HID,), minval=-s, maxval=s, dtype=jnp.float32)
    b_hh = jax.random.uniform(ks[8], (3 * DIM_HID,), minval=-s, maxval=s, dtype=jnp.float32)
    # TGN fixed-frequency time encoder: cos(t * w + b), w = 1/10^linspace(0,9,D)
    time_w = jnp.asarray(1.0 / (10.0 ** np.linspace(0.0, 9.0, DIM_TIME)), dtype=jnp.float32)
    time_b = jnp.zeros((DIM_TIME,), dtype=jnp.float32)
    return {
        'mail': mail, 'mail_ts': mail_ts, 'mem_ts': mem_ts, 'mem': mem, 'rh': rh,
        'W_ih': W_ih, 'W_hh': W_hh, 'b_ih': b_ih, 'b_hh': b_hh,
        'time_w': time_w, 'time_b': time_b,
    }


def reference(mail, mail_ts, mem_ts, mem, rh, W_ih, W_hh, b_ih, b_hh, time_w, time_b):
    # TimeEncode(mail_ts - mem_ts)
    dt = mail_ts - mem_ts
    time_feat = jnp.cos(dt[:, None] * time_w[None, :] + time_b[None, :])
    # t_mem_input = cat([mail, time_feat])
    t_in = jnp.concatenate([mail, time_feat], axis=1)
    # PyTorch GRUCell semantics
    gx = t_in @ W_ih.T + b_ih
    gh = mem @ W_hh.T + b_hh
    xr, xz, xn = jnp.split(gx, 3, axis=1)
    hr, hz, hn = jnp.split(gh, 3, axis=1)
    r = jax.nn.sigmoid(xr + hr)
    z = jax.nn.sigmoid(xz + hz)
    n = jnp.tanh(xn + r * hn)
    updated_memory = (1.0 - z) * n + z * mem
    # dim_node_feat == dim_hid -> constant_memory = rh (no linear map)
    h = updated_memory + rh
    return h

if __name__ == "__main__":
    import jax
    _d = setup_inputs()
    print(jax.jit(kernel)(*tuple(_d.values())))

</pallas_src>

<mosaic_0001>
module attributes {stable_mosaic.version = 14 : i64} {
  func.func @_gru_body(%arg0: i32, %arg1: memref<1000x4xf32, #tpu.memory_space<vmem>>, %arg2: memref<1000x4xf32, #tpu.memory_space<vmem>>, %arg3: memref<1000x128xbf16, #tpu.memory_space<vmem>>, %arg4: memref<1000x128xbf16, #tpu.memory_space<vmem>>, %arg5: memref<1000x128xbf16, #tpu.memory_space<vmem>>, %arg6: memref<4x128xf32, #tpu.memory_space<vmem>>, %arg7: memref<256x384xbf16, #tpu.memory_space<vmem>>, %arg8: memref<128x384xbf16, #tpu.memory_space<vmem>>, %arg9: memref<1x256xf32, #tpu.memory_space<vmem>>, %arg10: memref<1x128xf32, #tpu.memory_space<vmem>>, %arg11: memref<1x128xf32, #tpu.memory_space<vmem>>, %arg12: memref<1x128xf32, #tpu.memory_space<vmem>>, %arg13: memref<1000x128xf32, #tpu.memory_space<vmem>>) attributes {dimension_semantics = [#tpu.dimension_semantics<arbitrary>], iteration_bounds = array<i64: 125>, scalar_prefetch = 0 : i64, scratch_operands = 0 : i64, tpu.core_type = #tpu.core_type<tc>, window_params = [{transform_indices = @transform_0, window_bounds = array<i64: 1000, 4>}, {transform_indices = @transform_1, window_bounds = array<i64: 1000, 4>}, {transform_indices = @transform_2, window_bounds = array<i64: 1000, 128>}, {transform_indices = @transform_3, window_bounds = array<i64: 1000, 128>}, {transform_indices = @transform_4, window_bounds = array<i64: 1000, 128>}, {pipeline_mode = #tpu.pipeline_mode<synchronous>, transform_indices = @transform_5, window_bounds = array<i64: 4, 128>}, {pipeline_mode = #tpu.pipeline_mode<synchronous>, transform_indices = @transform_6, window_bounds = array<i64: 256, 384>}, {pipeline_mode = #tpu.pipeline_mode<synchronous>, transform_indices = @transform_7, window_bounds = array<i64: 128, 384>}, {pipeline_mode = #tpu.pipeline_mode<synchronous>, transform_indices = @transform_8, window_bounds = array<i64: 1, 256>}, {pipeline_mode = #tpu.pipeline_mode<synchronous>, transform_indices = @transform_9, window_bounds = array<i64: 1, 128>}, {pipeline_mode = #tpu.pipeline_mode<synchronous>, transform_indices = @transform_10, window_bounds = array<i64: 1, 128>}, {pipeline_mode = #tpu.pipeline_mode<synchronous>, transform_indices = @transform_11, window_bounds = array<i64: 1, 128>}, {transform_indices = @transform_12, window_bounds = array<i64: 1000, 128>}]} {
    %get3A = arith.constant 0 : index
    %get3A_0 = arith.constant 0 : index
    %get3A_1 = vector.load %arg1[%get3A, %get3A_0] : memref<1000x4xf32, #tpu.memory_space<vmem>>, vector<1000x4xf32>
    %get3A_2 = arith.constant 0 : index
    %get3A_3 = arith.constant 0 : index
    %get3A_4 = vector.load %arg2[%get3A_2, %get3A_3] : memref<1000x4xf32, #tpu.memory_space<vmem>>, vector<1000x4xf32>
    %sub3A = arith.subf %get3A_1, %get3A_4 : vector<1000x4xf32>
    %get3A_5 = arith.constant 0 : index
    %get3A_6 = arith.constant 0 : index
    %get3A_7 = vector.load %arg6[%get3A_5, %get3A_6] : memref<4x128xf32, #tpu.memory_space<vmem>>, vector<4x128xf32>
    %dot_general3A = arith.constant dense<0.000000e+00> : vector<1000x128xf32>
    %dot_general3A_8 = tpu.matmul %sub3A, %get3A_7, %dot_general3A {dimension_numbers = #tpu.dot_dimension_numbers<[1], [0], [0], [1], [0, 0, 1, 1], [], []>, precision = #tpu.contract_precision<fp32>, transpose_lhs_hint = false} : vector<1000x4xf32>, vector<4x128xf32>, vector<1000x128xf32> -> vector<1000x128xf32>
    %get3A_9 = arith.constant 0 : index
    %get3A_10 = arith.constant 0 : index
    %get3A_11 = vector.load %arg12[%get3A_9, %get3A_10] : memref<1x128xf32, #tpu.memory_space<vmem>>, vector<1x128xf32>
    %add3A = vector.broadcast %get3A_11 : vector<1x128xf32> to vector<1000x128xf32>
    %add3A_12 = arith.addf %dot_general3A_8, %add3A : vector<1000x128xf32>
    %mul3A = arith.constant 0.159154937 : f32
    %mul3A_13 = vector.broadcast %mul3A : f32 to vector<1000x128xf32>
    %mul3A_14 = arith.mulf %add3A_12, %mul3A_13 : vector<1000x128xf32>
    %round3A = math.roundeven %mul3A_14 : vector<1000x128xf32>
    %sub3A_15 = arith.subf %mul3A_14, %round3A : vector<1000x128xf32>
    %mul3A_16 = arith.mulf %sub3A_15, %sub3A_15 : vector<1000x128xf32>
    %mul3A_17 = arith.constant -21.2830219 : f32
    %mul3A_18 = vector.broadcast %mul3A_17 : f32 to vector<1000x128xf32>
    %mul3A_19 = arith.mulf %mul3A_16, %mul3A_18 : vector<1000x128xf32>
    %add3A_20 = arith.constant 58.9125557 : f32
    %add3A_21 = vector.broadcast %add3A_20 : f32 to vector<1000x128xf32>
    %add3A_22 = arith.addf %add3A_21, %mul3A_19 : vector<1000x128xf32>
    %mul3A_23 = arith.mulf %mul3A_16, %add3A_22 : vector<1000x128xf32>
    %add3A_24 = arith.constant -85.2959747 : f32
    %add3A_25 = vector.broadcast %add3A_24 : f32 to vector<1000x128xf32>
    %add3A_26 = arith.addf %add3A_25, %mul3A_23 : vector<1000x128xf32>
    %mul3A_27 = arith.mulf %mul3A_16, %add3A_26 : vector<1000x128xf32>
    %add3A_28 = arith.constant 64.9306107 : f32
    %add3A_29 = vector.broadcast %add3A_28 : f32 to vector<1000x128xf32>
    %add3A_30 = arith.addf %add3A_29, %mul3A_27 : vector<1000x128xf32>
    %mul3A_31 = arith.mulf %mul3A_16, %add3A_30 : vector<1000x128xf32>
    %add3A_32 = arith.constant -19.7390347 : f32
    %add3A_33 = vector.broadcast %add3A_32 : f32 to vector<1000x128xf32>
    %add3A_34 = arith.addf %add3A_33, %mul3A_31 : vector<1000x128xf32>
    %mul3A_35 = arith.mulf %mul3A_16, %add3A_34 : vector<1000x128xf32>
    %add3A_36 = arith.constant 0.999999463 : f32
    %add3A_37 = vector.broadcast %add3A_36 : f32 to vector<1000x128xf32>
    %add3A_38 = arith.addf %add3A_37, %mul3A_35 : vector<1000x128xf32>
    %get3A_39 = arith.constant 0 : index
    %get3A_40 = arith.constant 0 : index
    %get3A_41 = vector.load %arg3[%get3A_39, %get3A_40] : memref<1000x128xbf16, #tpu.memory_space<vmem>>, vector<1000x128xbf16>
    %convert_element_type3A = arith.truncf %add3A_38 : vector<1000x128xf32> to vector<1000x128xbf16>
    %concatenate3A = tpu.concatenate %get3A_41, %convert_element_type3A in 1 : vector<1000x128xbf16>, vector<1000x128xbf16> -> vector<1000x256xbf16>
    %get3A_42 = arith.constant 0 : index
    %get3A_43 = arith.constant 0 : index
    %get3A_44 = vector.load %arg7[%get3A_42, %get3A_43] : memref<256x384xbf16, #tpu.memory_space<vmem>>, vector<256x384xbf16>
    %dot_general3A_45 = arith.constant dense<0.000000e+00> : vector<1000x384xf32>
    %dot_general3A_46 = tpu.matmul %concatenate3A, %get3A_44, %dot_general3A_45 {dimension_numbers = #tpu.dot_dimension_numbers<[1], [0], [0], [1], [0, 0, 1, 1], [], []>, transpose_lhs_hint = false} : vector<1000x256xbf16>, vector<256x384xbf16>, vector<1000x384xf32> -> vector<1000x384xf32>
    %get3A_47 = arith.constant 0 : index
    %get3A_48 = arith.constant 0 : index
    %get3A_49 = vector.load %arg4[%get3A_47, %get3A_48] : memref<1000x128xbf16, #tpu.memory_space<vmem>>, vector<1000x128xbf16>
    %get3A_50 = arith.constant 0 : index
    %get3A_51 = arith.constant 0 : index
    %get3A_52 = vector.load %arg8[%get3A_50, %get3A_51] : memref<128x384xbf16, #tpu.memory_space<vmem>>, vector<128x384xbf16>
    %dot_general3A_53 = arith.constant dense<0.000000e+00> : vector<1000x384xf32>
    %dot_general3A_54 = tpu.matmul %get3A_49, %get3A_52, %dot_general3A_53 {dimension_numbers = #tpu.dot_dimension_numbers<[1], [0], [0], [1], [0, 0, 1, 1], [], []>, transpose_lhs_hint = false} : vector<1000x128xbf16>, vector<128x384xbf16>, vector<1000x384xf32> -> vector<1000x384xf32>
    %slice3A = vector.extract_strided_slice %dot_general3A_46 {offsets = [0, 0], sizes = [1000, 256], strides = [1, 1]} : vector<1000x384xf32> to vector<1000x256xf32>
    %slice3A_55 = vector.extract_strided_slice %dot_general3A_54 {offsets = [0, 0], sizes = [1000, 256], strides = [1, 1]} : vector<1000x384xf32> to vector<1000x256xf32>
    %add3A_56 = arith.addf %slice3A, %slice3A_55 : vector<1000x256xf32>
    %get3A_57 = arith.constant 0 : index
    %get3A_58 = arith.constant 0 : index
    %get3A_59 = vector.load %arg9[%get3A_57, %get3A_58] : memref<1x256xf32, #tpu.memory_space<vmem>>, vector<1x256xf32>
    %add3A_60 = vector.broadcast %get3A_59 : vector<1x256xf32> to vector<1000x256xf32>
    %add3A_61 = arith.addf %add3A_56, %add3A_60 : vector<1000x256xf32>
    %logistic3A = arith.negf %add3A_61 : vector<1000x256xf32>
    %logistic3A_62 = math.exp %logistic3A : vector<1000x256xf32>
    %logistic3A_63 = arith.constant 1.000000e+00 : f32
    %logistic3A_64 = vector.broadcast %logistic3A_63 : f32 to vector<1000x256xf32>
    %logistic3A_65 = arith.addf %logistic3A_64, %logistic3A_62 : vector<1000x256xf32>
    %logistic3A_66 = arith.divf %logistic3A_64, %logistic3A_65 : vector<1000x256xf32>
    %slice3A_67 = vector.extract_strided_slice %logistic3A_66 {offsets = [0, 0], sizes = [1000, 128], strides = [1, 1]} : vector<1000x256xf32> to vector<1000x128xf32>
    %slice3A_68 = vector.extract_strided_slice %logistic3A_66 {offsets = [0, 128], sizes = [1000, 128], strides = [1, 1]} : vector<1000x256xf32> to vector<1000x128xf32>
    %slice3A_69 = vector.extract_strided_slice %dot_general3A_46 {offsets = [0, 256], sizes = [1000, 128], strides = [1, 1]} : vector<1000x384xf32> to vector<1000x128xf32>
    %get3A_70 = arith.constant 0 : index
    %get3A_71 = arith.constant 0 : index
    %get3A_72 = vector.load %arg10[%get3A_70, %get3A_71] : memref<1x128xf32, #tpu.memory_space<vmem>>, vector<1x128xf32>
    %add3A_73 = vector.broadcast %get3A_72 : vector<1x128xf32> to vector<1000x128xf32>
    %add3A_74 = arith.addf %slice3A_69, %add3A_73 : vector<1000x128xf32>
    %slice3A_75 = vector.extract_strided_slice %dot_general3A_54 {offsets = [0, 256], sizes = [1000, 128], strides = [1, 1]} : vector<1000x384xf32> to vector<1000x128xf32>
    %get3A_76 = arith.constant 0 : index
    %get3A_77 = arith.constant 0 : index
    %get3A_78 = vector.load %arg11[%get3A_76, %get3A_77] : memref<1x128xf32, #tpu.memory_space<vmem>>, vector<1x128xf32>
    %add3A_79 = vector.broadcast %get3A_78 : vector<1x128xf32> to vector<1000x128xf32>
    %add3A_80 = arith.addf %slice3A_75, %add3A_79 : vector<1000x128xf32>
    %mul3A_81 = arith.mulf %slice3A_67, %add3A_80 : vector<1000x128xf32>
    %add3A_82 = arith.addf %add3A_74, %mul3A_81 : vector<1000x128xf32>
    %tanh3A = math.tanh %add3A_82 : vector<1000x128xf32>
    %get3A_83 = arith.constant 0 : index
    %get3A_84 = arith.constant 0 : index
    %get3A_85 = vector.load %arg4[%get3A_83, %get3A_84] : memref<1000x128xbf16, #tpu.memory_space<vmem>>, vector<1000x128xbf16>
    %convert_element_type3A_86 = arith.extf %get3A_85 : vector<1000x128xbf16> to vector<1000x128xf32>
    %sub3A_87 = arith.constant 1.000000e+00 : f32
    %sub3A_88 = vector.broadcast %sub3A_87 : f32 to vector<1000x128xf32>
    %sub3A_89 = arith.subf %sub3A_88, %slice3A_68 : vector<1000x128xf32>
    %mul3A_90 = arith.mulf %sub3A_89, %tanh3A : vector<1000x128xf32>
    %mul3A_91 = arith.mulf %slice3A_68, %convert_element_type3A_86 : vector<1000x128xf32>
    %add3A_92 = arith.addf %mul3A_90, %mul3A_91 : vector<1000x128xf32>
    %get3A_93 = arith.constant 0 : index
    %get3A_94 = arith.constant 0 : index
    %get3A_95 = vector.load %arg5[%get3A_93, %get3A_94] : memref<1000x128xbf16, #tpu.memory_space<vmem>>, vector<1000x128xbf16>
    %convert_element_type3A_96 = arith.extf %get3A_95 : vector<1000x128xbf16> to vector<1000x128xf32>
    %add3A_97 = arith.addf %add3A_92, %convert_element_type3A_96 : vector<1000x128xf32>
    %swap3A = arith.constant 0 : index
    %swap3A_98 = arith.constant 0 : index
    %swap3A_99 = vector.load %arg13[%swap3A, %swap3A_98] : memref<1000x128xf32, #tpu.memory_space<vmem>>, vector<1000x128xf32>
    tpu.vector_store %arg13[%swap3A, %swap3A_98], %add3A_97 {strides = array<i32>} : memref<1000x128xf32, #tpu.memory_space<vmem>>, vector<1000x128xf32>,
    return
  }
  func.func @transform_0(%arg0: i32) -> (i32, i32) {
    %c0_i32 = arith.constant 0 : i32
    %c0_i32_0 = arith.constant 0 : i32
    return %arg0, %c0_i32 : i32, i32
  }
  func.func @transform_1(%arg0: i32) -> (i32, i32) {
    %c0_i32 = arith.constant 0 : i32
    %c0_i32_0 = arith.constant 0 : i32
    return %arg0, %c0_i32 : i32, i32
  }
  func.func @transform_2(%arg0: i32) -> (i32, i32) {
    %c0_i32 = arith.constant 0 : i32
    %c0_i32_0 = arith.constant 0 : i32
    return %arg0, %c0_i32 : i32, i32
  }
  func.func @transform_3(%arg0: i32) -> (i32, i32) {
    %c0_i32 = arith.constant 0 : i32
    %c0_i32_0 = arith.constant 0 : i32
    return %arg0, %c0_i32 : i32, i32
  }
  func.func @transform_4(%arg0: i32) -> (i32, i32) {
    %c0_i32 = arith.constant 0 : i32
    %c0_i32_0 = arith.constant 0 : i32
    return %arg0, %c0_i32 : i32, i32
  }
  func.func @transform_5(%arg0: i32) -> (i32, i32) {
    %c0_i32 = arith.constant 0 : i32
    %c0_i32_0 = arith.constant 0 : i32
    %c0_i32_1 = arith.constant 0 : i32
    return %c0_i32, %c0_i32_0 : i32, i32
  }
  func.func @transform_6(%arg0: i32) -> (i32, i32) {
    %c0_i32 = arith.constant 0 : i32
    %c0_i32_0 = arith.constant 0 : i32
    %c0_i32_1 = arith.constant 0 : i32
    return %c0_i32, %c0_i32_0 : i32, i32
  }
  func.func @transform_7(%arg0: i32) -> (i32, i32) {
    %c0_i32 = arith.constant 0 : i32
    %c0_i32_0 = arith.constant 0 : i32
    %c0_i32_1 = arith.constant 0 : i32
    return %c0_i32, %c0_i32_0 : i32, i32
  }
  func.func @transform_8(%arg0: i32) -> (i32, i32) {
    %c0_i32 = arith.constant 0 : i32
    %c0_i32_0 = arith.constant 0 : i32
    %c0_i32_1 = arith.constant 0 : i32
    return %c0_i32, %c0_i32_0 : i32, i32
  }
  func.func @transform_9(%arg0: i32) -> (i32, i32) {
    %c0_i32 = arith.constant 0 : i32
    %c0_i32_0 = arith.constant 0 : i32
    %c0_i32_1 = arith.constant 0 : i32
    return %c0_i32, %c0_i32_0 : i32, i32
  }
  func.func @transform_10(%arg0: i32) -> (i32, i32) {
    %c0_i32 = arith.constant 0 : i32
    %c0_i32_0 = arith.constant 0 : i32
    %c0_i32_1 = arith.constant 0 : i32
    return %c0_i32, %c0_i32_0 : i32, i32
  }
  func.func @transform_11(%arg0: i32) -> (i32, i32) {
    %c0_i32 = arith.constant 0 : i32
    %c0_i32_0 = arith.constant 0 : i32
    %c0_i32_1 = arith.constant 0 : i32
    return %c0_i32, %c0_i32_0 : i32, i32
  }
  func.func @transform_12(%arg0: i32) -> (i32, i32) {
    %c0_i32 = arith.constant 0 : i32
    %c0_i32_0 = arith.constant 0 : i32
    return %arg0, %c0_i32 : i32, i32
  }
}

</mosaic_0001>

<sc_bundles>
// kernel: sparse-core-data-format-call.cloned.1.call-start
scs
called_computation_lowered:
.L_overlay_start_0:
0x0: {  	s2 =	sld [smem:$0x3FD9]  }
0x1: {  	s3 =	sld [smem:$0x3FFE];
	_ =	sdelay $0x1  }
0x2: {  	s1 =	srdreg.scid  }
0x3: {  	s0 =	sand.u32 $0x1, s1  }
0x4: {  	s18 =	sshll.u32 s0, $0xA;
	s2 =	sadd.s32 s3, s2  }
0x5: {  	s2 =	sadd.s32 s2, s18  }
0x6: {  	[smem:$0x3FBD] =	sst s2  }
0x7: {  	_ = 	snop  }
0x8: {  	s2 =	sld [smem:$0x3FD0];
	(tm) =	ssettm $0x1  }
0x9: {  	s19 =	sld [smem:$0x3FFB];
	_ =	sdelay $0x3  }
0xa: {  	_ =	strace s19  }
0xb: {  	s3 =	sld [smem:$0x3FFC];
	_ =	sdelay $0x3  }
0xc: {  	_ =	strace s3  }
0xd: {  	s3 =	sld [smem:$0x3FFD];
	_ =	sdelay $0x3  }
0xe: {  	_ =	strace s3  }
0xf: {  	_ =	strace $0x8FFFFFFF  }
0x10: {  	s20 =	sld [smem:$0x3FDB];
	_ =	sdelay $0x1  }
0x11: {  	s4 =	simm.s32 $_scs_section_size  }
0x12: {  	s5 =	simm.s32 $_size__tile_overlayer_lowered;
	s6 =	simm.s32 $_tile_overlayer_lowered  }
0x13: {  	s23 =	simm.s32 $0x1BFF;
	s22 =	sshll.u32 s6, $0x1;
	s3 =	sadd.s32 s4, s20  }
0x14: {  	s7 =	simm.s32 $0x0;
	s21 =	sshll.u32 s5, $0x1;
	s5 =	sadd.s32 s22, s3  }
0x15: {  	[timem:s7], [sflag:s23] =	dma.local [hbm:s5], s21  }
0x16: {  	_ =	swait.ge [sflag:s23], s21  }
0x17: {  	s4 =	ssub.s32 $0x0, s21;
	[sflag:s23] =	ssyncset.done $0x0  }
0x18: {  	[sflag:s23] =	ssyncadd.s32 s4;
	_ =	sdelay $0x1  }
0x19: {  	s24 =	simm.s32 $0x1B8B  }
0x1a: {  	_ =	swait.ge [sflag:s24], $0x1  }
0x1b: {  	[sflag:s24] =	ssyncset.done $0x0  }
0x1c: {  	s26 =	simm.s32 $0x1B8E;
	s25 =	sld [smem:$0x3FFE];
	[sflag:s24] =	ssyncadd.s32 $0xFFFFFFFF  }
0x1d: {  	s27 =	simm.s32 $execute0_lowered;
	[smem:$0x3FD2] =	sst s26  }
0x1e: {  	s5 =	sshll.u32 s27, $0x1;
	_ =	strace $0x80000046;
	[dreg:$0x1] =	wrdreg $0xFFFFFFFF  }
0x1f: {  	s28 =	simm.s32 $_size_execute0_lowered;
	s3 =	sadd.s32 s3, s5;
	[dreg:$0x0] =	wrdreg $0x0  }
0x20: {  	s5 =	sshll.u32 s28, $0x1;
	[dreg:$0x2] =	wrdreg s3  }
0x21: {  	[dreg:$0x3] =	wrdreg s5  }
0x22: {  	[dreg:$0x4] =	wrdreg $0xC0  }
0x23: {  	_ =	task [dreg:s7], $0x5FFFF  }
0x24: {  	[dreg:$0x1] =	wrdreg $0xFFFFFFFF  }
0x25: {  	[dreg:$0x0] =	wrdreg $0x60  }
0x26: {  	[dreg:$0x2] =	wrdreg s25  }
0x27: {  	[dreg:$0x3] =	wrdreg s2  }
0x28: {  	[dreg:$0x4] =	wrdreg $0x9  }
0x29: {  	_ =	task.clear_ibuf [dreg:s7], $0x5FFFF;
	_ =	strace $0x90000046  }
0x2a: {  	s29 =	simm.s32 $0x9;
	_ =	strace $0x80000048  }
0x2b: {  	_ =	swait.ge [sflag:s29], $0x1  }
0x2c: {  	[sflag:s29] =	ssyncadd.s32 $0xFFFFFFFF  }
0x2d: {  	_ =	strace $0x90000048  }
0x2e: {  	_ =	sfence  }
0x2f: {  	s30 =	sld [smem:$0x0];
	_ =	sdelay $0x2  }
0x30: {  	s31 =	sshll.u32 s1, $0xD;
	s1 =	sshrl.u32 s1, $0x2  }
0x31: {  	s3 =	sand.u32 $0x4000, s31;
	s1 =	sadd.s32 s1, s30  }
0x32: {  	s0 =	sor.u32 s3, s0;
	s1 =	sshll.u32 s1, $0x11  }
0x33: {  	s0 =	sor.u32 s1, s0  }
0x34: {  	s0 =	sadd.s32 $0x8F2B, s0  }
0x35: {  	[sflag:s0] =	ssyncadd.remote.s32 $0x1  }
0x36: {  	_ =	sfence.sel $0xFFFF  }
0x37: {  	[dreg:$0x0] =	wrdreg $0xFFFFFFFF;
	(pc) =	sbr.abs _section_cstart, $3  }
0x38: {  	[dreg:$0x1] =	wrdreg $0xFFFFFFFF  }
0x39: {  	_ =	task.clear_ibuf [dreg:s7], $0x2FFFF;
	_ =	strace $0x9FFFFFFF  }
0x3a: {  	(tm) =	ssettm $0x7FFFFFFF  }
0x3b: {  	_ =	shalt  }
tec
execute0_lowered:
.L_overlay_start_1:
0x0: {  	(tag) =	ssettag $0x1  }
0x1: {  	s4 =	rddreg [dreg:$0x0]  }
0x2: {  	s0 =	srdreg.scid;
	s2 =	rddreg [dreg:$0x1]  }
0x3: {  	s1 =	stileid.u32;
	s5 =	simm.s32 $0x1;
	s0 =	sshll.u32 s0, $0x4  }
0x4: {  	s7 =	simm.s32 $0x2;
	s11 =	simm.s32 $0x0;
	s3 =	sand.u32 $0x10, s0  }
.Ltmp0:
0x5: {  	p0 =	por $0x0, $0x0;
	s3 =	sor.u32 s1, s3;
	(pc) =	sbr.rel .LBB1_1-.Ltmp0, $4  }
0x6: {  	s8 =	simm.s32 $0x3D0C00;
	s10 =	simm.s32 $0x0;
	s3 =	sshll.u32 s3, $0x7  }
0x7: {  	s0 =	rddreg [dreg:$0x2];
	_ =	strace $0x80000047;
	s6 =	ssub.s32 $0x7A100, s3  }
0x8: {  	s4 =	sadd.s32 $0x89A200, s4;
	[sflag:s5] =	ssyncpa.u1 $0x0;
	s6 =	sshrl.u32 s6, $0xC  }
0x9: {  	[sflag:s7] =	ssyncpa.u1 $0x0;
	s9 =	smov.u32 s3;
	s7 =	sadd.s32 $0x2, s6  }
.LBB1_5:
0xa: {  	s13 =	sadd.s32 $0x1000, s9  }
0xb: {  	p2 =	sgt.s32 s13, $0x7A11F  }
0xc: {  	s13 =	smov.u32 @p2 s3;
	p2 =	sne.s32 s10, s7  }
.Ltmp1:
0xd: {  	p1 =	slt.u32 s10, $0x2;
	(pc) =	sbr.rel @!p2 .LBB1_6-.Ltmp1, $4  }
0xe: {  	s12 =	simm.s32 @!p1 $0x2  }
0xf: {  	s14 =	sadd.s32 $0x1, s10;
	_ =	swait.ge @!p1 [sflag:s12], $0x1000  }
0x10: {  	s11 =	smov.u32 s9;
	p0 =	por !p0, !p0;
	[sflag:s12] =	ssyncset.done @!p1 $0x0  }
0x11: {  	s10 =	smov.u32 s14;
	s9 =	smov.u32 s13;
	[sflag:s12] =	ssyncadd.s32 @!p1 $0xFFFFF000  }
.LBB1_1:
0x12: {  	p1 =	sgt.u32 s10, s6  }
0x13: {  	s13 =	smov.u32 s9;
	p2 =	sgt.s32 @!p1 s9, $0x7A0A0  }
0x14: {  	s12 =	sand.u32 @!p1 $0x1FFFFFF, s9;
	s14 =	sshra.s32 @!p1 s9, $0x1F;
	p2 =	por !p2, p1  }
0x15: {  	s15 =	smulhi.u32 @!p1 $0x218DEF5, s12;
	s14 =	sand.u32 @!p1 s14, s9;
	s13 =	simm.s32 @p2 $0x7A0A0  }
0x16: {  	s13 =	ssub.s32 @!p1 s13, s14  }
0x17: {  	s14 =	sshrl.u32 @!p1 s15, $0xC;
	s13 =	sadd.s32 @!p1 $0xFFF85F60, s13  }
0x18: {  	s15 =	sxor.u32 @!p1 $0xFFFFFFFF, s10;
	s14 =	smul.u32 @!p1 $0x7A120, s14;
	s16 =	sshll.u32 @!p1 s13, $0x7  }
0x19: {  	s15 =	sshll.u32 @!p1 s15, $0xC;
	p2 =	sgt.s32 @!p1 s13, $0x7F;
	s13 =	ssub.s32 @!p1 $0x4000, s16  }
0x1a: {  	s12 =	ssub.s32 @!p1 s12, s14;
	p2 =	por !p2, p1;
	s14 =	sand.u32 @!p1 $0x1000, s15  }
0x1b: {  	s15 =	simm.s32 @!p1 $0x20;
	s13 =	sshrl.u32 @!p1 s13, $0x2;
	s12 =	sshll.u32 @!p1 s12, $0x4  }
0x1c: {  	s16 =	simm.s32 @!p1 $0x80;
	s13 =	simm.s32 @!p2 $0x0;
	s12 =	sadd.s32 @!p1 s4, s12  }
0x1d: {  	[tilespmem:s14], [sflag:$0x1] =	stream.strided.gather @!p1 [hbm4b:s12+s15], s13, s16, s15, $0x38;
	[tilespmem:$0x4040] =	vst v63  }
0x1e: {  	p1 =	seq.s32 s10, $0x0  }
0x1f: {  	p2 =	sge.u32 @!p1 s10, s7  }
0x20: {  	p1 =	por p1, p2  }
.Ltmp2:
0x21: {  	_ = 	snop;
	(pc) =	sbr.rel @p1 .LBB1_5-.Ltmp2, $1  }
0x22: {  	_ =	sdelay $0x3  }
0x23: {  	p1 =	sgt.s32 s11, $0x7A0A0;
	s12 =	smov.u32 s11;
	s13 =	sshra.s32 s11, $0x1F  }
0x24: {  	s12 =	simm.s32 @!p1 $0x7A0A0;
	s13 =	sand.u32 s13, s11  }
0x25: {  	s12 =	ssub.s32 s12, s13  }
0x26: {  	s12 =	sadd.s32 $0xFFF85F60, s12  }
0x27: {  	s28 =	sshll.u32 s12, $0x7  }
0x28: {  	s13 =	ssub.s32 $0x4000, s28  }
0x29: {  	p1 =	sgt.s32 s12, $0x7F;
	s12 =	sshrl.u32 s13, $0x2  }
0x2a: {  	s13 =	simm.s32 $0x1;
	s12 =	simm.s32 @p1 $0x0  }
0x2b: {  	s13 =	simm.s32 @!p0 $0x0;
	_ =	swait.ge [sflag:s5], s12  }
0x2c: {  	s14 =	sshll.u32 s13, $0xC;
	s12 =	ssub.s32 $0x0, s12;
	[sflag:s5] =	ssyncset.done $0x0  }
0x2d: {  	s16 =	sor.u32 $0x10, s14;
	[sflag:s5] =	ssyncadd.s32 s12  }
0x2e: {  	s29 =	smul.u32 $0x4080, s13;
	v1 =	vld [tilespmem:s16+$0x0]  }
0x2f: {  	s30 =	sand.u32 $0x1, s10;
	v0 =	vld [tilespmem:s16+$0xFFFFFFF0]  }
0x30: {  	s13 =	smul.u32 $0x4080, s30;
	s12 =	sshrl.u32 s29, $0x2  }
0x31: {  	s14 =	sor.u32 $0x2000, s12  }
0x32: {  	s31 =	sshrl.u32 s13, $0x2;
	s13 =	sadd.s32 $0x0, s14  }
0x33: {  	s15 =	simm.s32 $0x4;
	s12 =	sor.u32 $0x2000, s31;
	s16 =	sadd.s32 $0x20, s16;
	[tilespmem:s13+$0x810 ss:$0x81] =	vst.msk $0xffff, v1  }
.LBB1_3:
0x34: {  	v1 =	vld [tilespmem:s16+$0x0];
	p1 =	sne.s32 s15, $0x1FC;
	[tilespmem:s13+$0x0 ss:$0x81] =	vst.msk $0xffff, v0;
	s13 =	smov.u32 s15;
	s15 =	sadd.s32 $0x4, s15  }
.Ltmp3:
0x35: {  	v0 =	vld [tilespmem:s16+$0xFFFFFFF0];
	(pc) =	sbr.rel @p1 .LBB1_3-.Ltmp3, $4  }
0x36: {  	_ = 	snop  }
0x37: {  	s13 =	sshra.s32 s13, $0x2  }
0x38: {  	s13 =	sadd.s32 s13, s14  }
0x39: {  	s16 =	sadd.s32 $0x20, s16;
	[tilespmem:s13+$0x810 ss:$0x81] =	vst.msk $0xffff, v1  }
0x3a: {  	s14 =	sshll.u32 s11, $0x3  }
0x3b: {  	s14 =	sand.u32 $0xFFFFFC00, s14  }
0x3c: {  	s15 =	sshrl.u32 s14, $0x7  }
0x3d: {  	s15 =	smulhi.u32 $0x10C6249, s15;
	_ =	sdelay $0x1  }
0x3e: {  	s15 =	sshrl.u32 s15, $0x4  }
0x3f: {  	s28 =	sand.u32 $0x7F, s11;
	s16 =	smul.u32 $0x7A180, s15  }
0x40: {  	s11 =	sor.u32 s28, s14  }
.Ltmp4:
0x41: {  	s29 =	sand.u32 $0x1F, s15;
	s11 =	ssub.s32 s11, s16;
	(pc) =	sbr.rel .LBB1_5-.Ltmp4, $4  }
0x42: {  	s14 =	smul.u32 $0xF430, s29;
	s30 =	sshrl.u32 s11, $0x3;
	s11 =	sand.u32 $0x7, s11  }
0x43: {  	s15 =	sadd.s32 s2, s30;
	s11 =	sshll.u32 s11, $0x12  }
0x44: {  	[tilespmem:s13+$0x0 ss:$0x81] =	vst.msk $0xffff, v0;
	s31 =	sadd.s32 s14, s15;
	s11 =	sor.u32 $0x400, s11  }
0x45: {  	[hbm4b:s31+s11] =	stream.strided.scatter [tilespmem:s12], [sflag:$0x2], $0x1000, s8, s11, $0x20;
	[tilespmem:$0x4040] =	vst v63  }
.LBB1_6:
0x46: {  	_ =	sfence.sel $0x180000  }
0x47: {  	s2 =	simm.s32 $0x1;
	[bflag:$0x0] =	sbarrier.arrive $0xFFFF  }
0x48: {  	s31 =	simm.s32 $0x2;
	[sflag:s2] =	ssyncpa.u1 $0x1  }
0x49: {  	[sflag:s31] =	ssyncpa.u1 $0x1  }
0x4a: {  	p0 =	sne.s32 s1, $0x0;
	_ =	strace $0x90000047  }
0x4b: {  	s0 =	sadd.s32 @!p0 $0x100000, s0;
	[bflag:$0x2] =	sbarrier.arrive $0xFFFF  }
0x4c: {  	[sflag:s0] =	ssyncadd.tile.s32 @!p0 $0x1;
	_ =	shalt  }
.Lfunc_end1:
_tile_overlayer_lowered:
.L_overlay_start_2:
0x4d: {  	(tag) =	ssettag $0x2  }
0x4e: {  	s0 =	rddreg [dreg:$0x0];
	s2 =	stileid.u32  }
0x4f: {  	s1 =	rddreg [dreg:$0x1];
	p0 =	sne.s32 s2, $0x0  }
0x50: {  	s3 =	rddreg [dreg:$0x2];
	[bflag:$0x3] =	sbarrier.arrive $0xFFFF;
	s2 =	simm.s32 @!p0 $0x1C01  }
0x51: {  	[timem:s3], [sflag:s2] =	dma.local @!p0 [hbm:s0], s1  }
0x52: {  	s0 =	simm.s32 @!p0 $0x1  }
0x53: {  	_ =	swait.ge @!p0 [sflag:s0], s1  }
0x54: {  	s1 =	ssub.s32 @!p0 $0x0, s1;
	[sflag:s0] =	ssyncset.done @!p0 $0x0  }
0x55: {  	[sflag:s0] =	ssyncadd.s32 @!p0 s1  }
0x56: {  	[bflag:$0x3] =	sbarrier.arrive $0xFFFF  }
0x57: {  	_ =	shalt  }

</sc_bundles>
